<compile_context>
chip_gen: v7x
topology: tpu7x:2x2x1
jax: 0.10.2.dev20260603
libtpu: 0.0.44.dev20260713+nightly
codegen_flags: <defaults>
</compile_context>

<pallas_src>
import functools

import jax
import jax.numpy as jnp
from jax import lax
from jax.experimental import pallas as pl
from jax.experimental.pallas import tpu as pltpu
from jax.experimental.pallas import tpu_sc as plsc


def _scores_body(lt_ref, pres_ref, scores_ref, labels_ref):
    x = lt_ref[...]
    p = pres_ref[...]
    q2 = 1.0 + jnp.exp(-p.T)
    q = q2[:, :, None]
    t = q * jnp.exp(-x) + q
    m = jnp.min(t, axis=0)
    scores_ref[...] = 1.0 / m
    labels_ref[...] = jnp.ones(labels_ref.shape, jnp.int32)


def _sc_boxes(pbt_hbm, scale_hbm, out_hbm, a_v, wh_v, o_v, s_v, sem):
    wid = lax.axis_index("s") * 2 + lax.axis_index("c")
    b = wid // 4
    r = wid - 4 * b
    ai = r & 1
    N = a_v.shape[0]
    pltpu.sync_copy(pbt_hbm.at[b, ai], a_v)
    pltpu.sync_copy(pbt_hbm.at[b, 2 + ai], wh_v)
    pltpu.sync_copy(scale_hbm.at[b, ai], s_v)
    sgn = jnp.where(r < 2, -0.5, 0.5)
    sv = s_v[...]

    def body(i, _):
        sl = pl.ds(i * 16, 16)
        o_v[sl] = (a_v[sl] + sgn * wh_v[sl]) * sv
        return 0

    lax.fori_loop(0, N // 16, body, 0)
    pltpu.sync_copy(o_v, out_hbm.at[b, r])


def kernel(pred_logits, pred_boxes, presence_logit_dec, target_sizes_boxes,
           target_sizes_masks):
    B, N, C = pred_logits.shape
    TILE = 2048
    ntiles = (N + TILE - 1) // TILE

    lt = jnp.transpose(pred_logits, (2, 0, 1))
    pbt = jnp.transpose(pred_boxes, (0, 2, 1))
    img_h = target_sizes_boxes[:, 0].astype(jnp.float32)
    img_w = target_sizes_boxes[:, 1].astype(jnp.float32)
    scale_bc = jnp.broadcast_to(
        jnp.stack([img_w, img_h], axis=1)[:, :, None], (B, 2, 16))

    mesh = plsc.VectorSubcoreMesh(core_axis_name="c", subcore_axis_name="s")
    boxes_t = functools.partial(
        pl.kernel,
        mesh=mesh,
        out_type=jax.ShapeDtypeStruct((B, 4, N), jnp.float32),
        scratch_types=[
            pltpu.VMEM((N,), jnp.float32),
            pltpu.VMEM((N,), jnp.float32),
            pltpu.VMEM((N,), jnp.float32),
            pltpu.VMEM((16,), jnp.float32),
            pltpu.SemaphoreType.DMA,
        ],
    )(_sc_boxes)(pbt, scale_bc)

    scores, labels = pl.pallas_call(
        _scores_body,
        grid=(ntiles,),
        in_specs=[
            pl.BlockSpec((C, B, TILE), lambda i: (0, 0, i)),
            pl.BlockSpec((B, C), lambda i: (0, 0)),
        ],
        out_specs=[
            pl.BlockSpec((B, TILE), lambda i: (0, i)),
            pl.BlockSpec((B, TILE), lambda i: (0, i)),
        ],
        out_shape=[
            jax.ShapeDtypeStruct((B, N), jnp.float32),
            jax.ShapeDtypeStruct((B, N), jnp.int32),
        ],
    )(lt, presence_logit_dec)

    boxes = jnp.transpose(boxes_t, (0, 2, 1))
    return scores, labels, boxes

# --- scband reference (transcript-rebuilt; emitter-appended) ---
"""Pipeline reference for scband-post-process-image-5952824672688 (READ-ONLY COPY).

The authoritative reference and input builder live on the scoring server;
editing this copy changes nothing except your own understanding.
"""

import jax, jax.numpy as jnp
import numpy as np


def setup_inputs(seed: int = 0) -> dict:
    key = jax.random.key(seed)
    k1, k2, k3, k4, k5 = jax.random.split(key, 5)
    B, N, C = 8, 20000, 91
    pred_logits = jax.random.normal(k1, (B, N, C), dtype=jnp.float32)
    pred_boxes = jax.random.uniform(k2, (B, N, 4), dtype=jnp.float32)
    presence_logit_dec = jax.random.normal(k3, (B, C), dtype=jnp.float32)
    target_sizes_boxes = jax.random.randint(k4, (B, 2), 0, 1333).astype(jnp.int32)
    target_sizes_masks = jax.random.randint(k5, (B, 2), 0, 1333).astype(jnp.int32)
    return {
        'pred_logits': pred_logits,
        'pred_boxes': pred_boxes,
        'presence_logit_dec': presence_logit_dec,
        'target_sizes_boxes': target_sizes_boxes,
        'target_sizes_masks': target_sizes_masks,
    }


def reference(pred_logits, pred_boxes, presence_logit_dec, target_sizes_boxes, target_sizes_masks):
    # outputs dict = {'pred_logits', 'pred_boxes', 'presence_logit_dec'}; iou_type='bbox' so no masks.
    assert target_sizes_boxes.shape[1] == 2
    assert target_sizes_masks.shape[1] == 2
    # out_probs = sigmoid(logits) * sigmoid(presence)[:, None, :]  (use_presence=True)
    out_probs = jax.nn.sigmoid(pred_logits) * jax.nn.sigmoid(presence_logit_dec)[:, None, :]
    # scores, labels = out_probs.max(-1); forced_labels is None -> labels = ones_like(labels)
    scores = jnp.max(out_probs, axis=-1)
    labels = jnp.ones(scores.shape, dtype=jnp.int32)
    # box_cxcywh_to_xyxy
    cx, cy, w, h = jnp.split(pred_boxes, 4, axis=-1)
    boxes = jnp.concatenate([cx - 0.5 * w, cy - 0.5 * h, cx + 0.5 * w, cy + 0.5 * h], axis=-1)
    # scale to image sizes
    img_h = target_sizes_boxes[:, 0].astype(jnp.float32)
    img_w = target_sizes_boxes[:, 1].astype(jnp.float32)
    scale_fct = jnp.stack([img_w, img_h, img_w, img_h], axis=1)
    boxes = boxes * scale_fct[:, None, :]
    # detection_threshold <= 0 -> keep is None; results per image: scores, labels, boxes
    return scores, labels, boxes

if __name__ == "__main__":
    import jax
    _d = setup_inputs()
    print(jax.jit(kernel)(*tuple(_d.values())))

</pallas_src>

<mosaic_0001>
#map = affine_map<(d0, d1) -> (0, 0, 0)>
module attributes {stable_mosaic.version = 14 : i64} {
  func.func @_sc_boxes(%arg0: i32, %arg1: i32, %arg2: memref<8x4x20000xf32, #tpu.memory_space<hbm>>, %arg3: memref<8x2x16xf32, #tpu.memory_space<hbm>>, %arg4: memref<8x4x20000xf32, #tpu.memory_space<hbm>>, %arg5: memref<20000xf32, #tpu.memory_space<vmem>>, %arg6: memref<20000xf32, #tpu.memory_space<vmem>>, %arg7: memref<20000xf32, #tpu.memory_space<vmem>>, %arg8: memref<16xf32, #tpu.memory_space<vmem>>, %arg9: memref<!tpu.dma_semaphore, #tpu.memory_space<semaphore_mem>>) attributes {dimension_semantics = [#tpu.dimension_semantics<core_parallel>, #tpu.dimension_semantics<subcore_parallel>], iteration_bounds = array<i64: 2, 16>, scalar_prefetch = 0 : i64, scratch_operands = 5 : i64, tpu.core_type = #tpu.core_type<sc_vector_subcore>, window_params = [{transform_indices = #map}, {transform_indices = #map}, {transform_indices = #map}]} {
    %mul3A = arith.constant 2 : i32
    %mul3A_0 = arith.muli %arg1, %mul3A : i32
    %add3A = arith.addi %mul3A_0, %arg0 : i32
    %jit3A = arith.constant 4 : i32
    %div3A = arith.divsi %add3A, %jit3A : i32
    %sign3A = arith.constant 0 : i32
    %sign3A_1 = arith.cmpi sgt, %add3A, %sign3A : i32
    %sign3A_2 = arith.extui %sign3A_1 : i1 to i32
    %sign3A_3 = arith.constant 0 : i32
    %sign3A_4 = arith.cmpi slt, %add3A, %sign3A_3 : i32
    %sign3A_5 = arith.extui %sign3A_4 : i1 to i32
    %sign3A_6 = arith.subi %sign3A_2, %sign3A_5 : i32
    %sign3A_7 = arith.constant 0 : i32
    %sign3A_8 = arith.cmpi sgt, %jit3A, %sign3A_7 : i32
    %sign3A_9 = arith.extui %sign3A_8 : i1 to i32
    %sign3A_10 = arith.constant 0 : i32
    %sign3A_11 = arith.cmpi slt, %jit3A, %sign3A_10 : i32
    %sign3A_12 = arith.extui %sign3A_11 : i1 to i32
    %sign3A_13 = arith.subi %sign3A_9, %sign3A_12 : i32
    %ne3A = arith.cmpi ne, %sign3A_6, %sign3A_13 : i32
    %rem3A = arith.remsi %add3A, %jit3A : i32
    %ne3A_14 = arith.constant 0 : i32
    %ne3A_15 = arith.cmpi ne, %rem3A, %ne3A_14 : i32
    %and3A = arith.andi %ne3A, %ne3A_15 : i1
    %sub3A = arith.constant 1 : i32
    %sub3A_16 = arith.subi %div3A, %sub3A : i32
    %select_n3A = arith.select %and3A, %sub3A_16, %div3A : i32
    %mul3A_17 = arith.constant 4 : i32
    %mul3A_18 = arith.muli %mul3A_17, %select_n3A : i32
    %sub3A_19 = arith.subi %add3A, %mul3A_18 : i32
    %and3A_20 = arith.constant 1 : i32
    %and3A_21 = arith.andi %sub3A_19, %and3A_20 : i32
    "tpu.region"() ({
      %run_scoped3A = tpu.sem_alloc : memref<!tpu.dma_semaphore, #tpu.memory_space<semaphore_mem>>
      %dma_start3A = arith.constant 0 : i32
      %dma_start3A_36 = tpu.memref_slice %arg2[%select_n3A, %and3A_21, %dma_start3A] : memref<8x4x20000xf32, #tpu.memory_space<hbm>> -> memref<1x1x20000xf32, #tpu.memory_space<hbm>>
      %dma_start3A_37 = tpu.memref_squeeze %dma_start3A_36 : memref<1x1x20000xf32, #tpu.memory_space<hbm>> -> memref<20000xf32, #tpu.memory_space<hbm>>
      %dma_start3A_38 = arith.constant 0 : i32
      %dma_start3A_39 = tpu.memref_slice %arg2[%select_n3A, %and3A_21, %dma_start3A_38] : memref<8x4x20000xf32, #tpu.memory_space<hbm>> -> memref<1x1x20000xf32, #tpu.memory_space<hbm>>
      %dma_start3A_40 = tpu.memref_squeeze %dma_start3A_39 : memref<1x1x20000xf32, #tpu.memory_space<hbm>> -> memref<20000xf32, #tpu.memory_space<hbm>>
      tpu.enqueue_dma source(%dma_start3A_40 : memref<20000xf32, #tpu.memory_space<hbm>>) target(%arg5 : memref<20000xf32, #tpu.memory_space<vmem>>) target_semaphore(%run_scoped3A : memref<!tpu.dma_semaphore, #tpu.memory_space<semaphore_mem>>)
      %dma_wait3A = arith.constant 0 : i32
      %dma_wait3A_41 = tpu.memref_slice %arg2[%select_n3A, %and3A_21, %dma_wait3A] : memref<8x4x20000xf32, #tpu.memory_space<hbm>> -> memref<1x1x20000xf32, #tpu.memory_space<hbm>>
      %dma_wait3A_42 = tpu.memref_squeeze %dma_wait3A_41 : memref<1x1x20000xf32, #tpu.memory_space<hbm>> -> memref<20000xf32, #tpu.memory_space<hbm>>
      %dma_wait3A_43 = arith.constant 0 : i32
      %dma_wait3A_44 = tpu.memref_slice %arg2[%select_n3A, %and3A_21, %dma_wait3A_43] : memref<8x4x20000xf32, #tpu.memory_space<hbm>> -> memref<1x1x20000xf32, #tpu.memory_space<hbm>>
      %dma_wait3A_45 = tpu.memref_squeeze %dma_wait3A_44 : memref<1x1x20000xf32, #tpu.memory_space<hbm>> -> memref<20000xf32, #tpu.memory_space<hbm>>
      tpu.wait_dma2 semaphore(%run_scoped3A : memref<!tpu.dma_semaphore, #tpu.memory_space<semaphore_mem>>) src(%dma_wait3A_45 : memref<20000xf32, #tpu.memory_space<hbm>>) dst(%arg5 : memref<20000xf32, #tpu.memory_space<vmem>>)
      tpu.yield
    }) : () -> ()
    %add3A_22 = arith.constant 2 : i32
    %add3A_23 = arith.addi %add3A_22, %and3A_21 : i32
    "tpu.region"() ({
      %run_scoped3A = tpu.sem_alloc : memref<!tpu.dma_semaphore, #tpu.memory_space<semaphore_mem>>
      %dma_start3A = arith.constant 0 : i32
      %dma_start3A_36 = tpu.memref_slice %arg2[%select_n3A, %add3A_23, %dma_start3A] : memref<8x4x20000xf32, #tpu.memory_space<hbm>> -> memref<1x1x20000xf32, #tpu.memory_space<hbm>>
      %dma_start3A_37 = tpu.memref_squeeze %dma_start3A_36 : memref<1x1x20000xf32, #tpu.memory_space<hbm>> -> memref<20000xf32, #tpu.memory_space<hbm>>
      %dma_start3A_38 = arith.constant 0 : i32
      %dma_start3A_39 = tpu.memref_slice %arg2[%select_n3A, %add3A_23, %dma_start3A_38] : memref<8x4x20000xf32, #tpu.memory_space<hbm>> -> memref<1x1x20000xf32, #tpu.memory_space<hbm>>
      %dma_start3A_40 = tpu.memref_squeeze %dma_start3A_39 : memref<1x1x20000xf32, #tpu.memory_space<hbm>> -> memref<20000xf32, #tpu.memory_space<hbm>>
      tpu.enqueue_dma source(%dma_start3A_40 : memref<20000xf32, #tpu.memory_space<hbm>>) target(%arg6 : memref<20000xf32, #tpu.memory_space<vmem>>) target_semaphore(%run_scoped3A : memref<!tpu.dma_semaphore, #tpu.memory_space<semaphore_mem>>)
      %dma_wait3A = arith.constant 0 : i32
      %dma_wait3A_41 = tpu.memref_slice %arg2[%select_n3A, %add3A_23, %dma_wait3A] : memref<8x4x20000xf32, #tpu.memory_space<hbm>> -> memref<1x1x20000xf32, #tpu.memory_space<hbm>>
      %dma_wait3A_42 = tpu.memref_squeeze %dma_wait3A_41 : memref<1x1x20000xf32, #tpu.memory_space<hbm>> -> memref<20000xf32, #tpu.memory_space<hbm>>
      %dma_wait3A_43 = arith.constant 0 : i32
      %dma_wait3A_44 = tpu.memref_slice %arg2[%select_n3A, %add3A_23, %dma_wait3A_43] : memref<8x4x20000xf32, #tpu.memory_space<hbm>> -> memref<1x1x20000xf32, #tpu.memory_space<hbm>>
      %dma_wait3A_45 = tpu.memref_squeeze %dma_wait3A_44 : memref<1x1x20000xf32, #tpu.memory_space<hbm>> -> memref<20000xf32, #tpu.memory_space<hbm>>
      tpu.wait_dma2 semaphore(%run_scoped3A : memref<!tpu.dma_semaphore, #tpu.memory_space<semaphore_mem>>) src(%dma_wait3A_45 : memref<20000xf32, #tpu.memory_space<hbm>>) dst(%arg6 : memref<20000xf32, #tpu.memory_space<vmem>>)
      tpu.yield
    }) : () -> ()
    "tpu.region"() ({
      %run_scoped3A = tpu.sem_alloc : memref<!tpu.dma_semaphore, #tpu.memory_space<semaphore_mem>>
      %dma_start3A = arith.constant 0 : i32
      %dma_start3A_36 = tpu.memref_slice %arg3[%select_n3A, %and3A_21, %dma_start3A] : memref<8x2x16xf32, #tpu.memory_space<hbm>> -> memref<1x1x16xf32, #tpu.memory_space<hbm>>
      %dma_start3A_37 = tpu.memref_squeeze %dma_start3A_36 : memref<1x1x16xf32, #tpu.memory_space<hbm>> -> memref<16xf32, #tpu.memory_space<hbm>>
      %dma_start3A_38 = arith.constant 0 : i32
      %dma_start3A_39 = tpu.memref_slice %arg3[%select_n3A, %and3A_21, %dma_start3A_38] : memref<8x2x16xf32, #tpu.memory_space<hbm>> -> memref<1x1x16xf32, #tpu.memory_space<hbm>>
      %dma_start3A_40 = tpu.memref_squeeze %dma_start3A_39 : memref<1x1x16xf32, #tpu.memory_space<hbm>> -> memref<16xf32, #tpu.memory_space<hbm>>
      tpu.enqueue_dma source(%dma_start3A_40 : memref<16xf32, #tpu.memory_space<hbm>>) target(%arg8 : memref<16xf32, #tpu.memory_space<vmem>>) target_semaphore(%run_scoped3A : memref<!tpu.dma_semaphore, #tpu.memory_space<semaphore_mem>>)
      %dma_wait3A = arith.constant 0 : i32
      %dma_wait3A_41 = tpu.memref_slice %arg3[%select_n3A, %and3A_21, %dma_wait3A] : memref<8x2x16xf32, #tpu.memory_space<hbm>> -> memref<1x1x16xf32, #tpu.memory_space<hbm>>
      %dma_wait3A_42 = tpu.memref_squeeze %dma_wait3A_41 : memref<1x1x16xf32, #tpu.memory_space<hbm>> -> memref<16xf32, #tpu.memory_space<hbm>>
      %dma_wait3A_43 = arith.constant 0 : i32
      %dma_wait3A_44 = tpu.memref_slice %arg3[%select_n3A, %and3A_21, %dma_wait3A_43] : memref<8x2x16xf32, #tpu.memory_space<hbm>> -> memref<1x1x16xf32, #tpu.memory_space<hbm>>
      %dma_wait3A_45 = tpu.memref_squeeze %dma_wait3A_44 : memref<1x1x16xf32, #tpu.memory_space<hbm>> -> memref<16xf32, #tpu.memory_space<hbm>>
      tpu.wait_dma2 semaphore(%run_scoped3A : memref<!tpu.dma_semaphore, #tpu.memory_space<semaphore_mem>>) src(%dma_wait3A_45 : memref<16xf32, #tpu.memory_space<hbm>>) dst(%arg8 : memref<16xf32, #tpu.memory_space<vmem>>)
      tpu.yield
    }) : () -> ()
    %lt3A = arith.constant 2 : i32
    %lt3A_24 = arith.cmpi slt, %sub3A_19, %lt3A : i32
    %jit3A_25 = arith.constant -5.000000e-01 : f32
    %jit3A_26 = arith.constant 5.000000e-01 : f32
    %select_n3A_27 = arith.select %lt3A_24, %jit3A_25, %jit3A_26 : f32
    %get3A = arith.constant 0 : index
    %get3A_28 = tpu.vector_load %arg8[%get3A] {strides = array<i32>} : memref<16xf32, #tpu.memory_space<vmem>>, vector<16xf32>,
    %get3A_29 = vector.shape_cast %get3A_28 : vector<16xf32> to vector<16xf32>
    %scan3A = arith.constant 0 : i32
    %scan3A_30 = arith.constant 0 : i32
    %scan3A_31 = arith.constant 1250 : i32
    %scan3A_32 = arith.addi %scan3A_30, %scan3A_31 : i32
    %scan3A_33 = arith.constant 1 : i32
    %scan3A_34 = scf.for %scan3A_36 = %scan3A_30 to %scan3A_32 step %scan3A_33 iter_args(%scan3A_37 = %scan3A) -> (i32)  : i32 {
      %mul3A_38 = arith.constant 16 : i32
      %mul3A_39 = arith.muli %scan3A_36, %mul3A_38 : i32
      %get3A_40 = arith.index_cast %mul3A_39 : i32 to index
      %get3A_41 = tpu.vector_load %arg5[%get3A_40] {strides = array<i32>} : memref<20000xf32, #tpu.memory_space<vmem>>, vector<16xf32>,
      %get3A_42 = vector.shape_cast %get3A_41 : vector<16xf32> to vector<16xf32>
      %get3A_43 = arith.index_cast %mul3A_39 : i32 to index
      %get3A_44 = tpu.vector_load %arg6[%get3A_43] {strides = array<i32>} : memref<20000xf32, #tpu.memory_space<vmem>>, vector<16xf32>,
      %get3A_45 = vector.shape_cast %get3A_44 : vector<16xf32> to vector<16xf32>
      %mul3A_46 = vector.broadcast %select_n3A_27 : f32 to vector<16xf32>
      %mul3A_47 = arith.mulf %mul3A_46, %get3A_45 : vector<16xf32>
      %add3A_48 = arith.addf %get3A_42, %mul3A_47 : vector<16xf32>
      %mul3A_49 = arith.mulf %add3A_48, %get3A_29 : vector<16xf32>
      %swap3A = arith.index_cast %mul3A_39 : i32 to index
      %swap3A_50 = tpu.vector_load %arg7[%swap3A] {strides = array<i32>} : memref<20000xf32, #tpu.memory_space<vmem>>, vector<16xf32>,
      %swap3A_51 = vector.shape_cast %swap3A_50 : vector<16xf32> to vector<16xf32>
      %swap3A_52 = vector.shape_cast %mul3A_49 : vector<16xf32> to vector<16xf32>
      tpu.vector_store %arg7[%swap3A], %swap3A_52 {strides = array<i32>} : memref<20000xf32, #tpu.memory_space<vmem>>, vector<16xf32>,
      %scan3A_53 = arith.constant 0 : i32
      scf.yield %scan3A_53 : i32
    }
    %scan3A_35 = arith.constant 1250 : i32
    "tpu.region"() ({
      %run_scoped3A = tpu.sem_alloc : memref<!tpu.dma_semaphore, #tpu.memory_space<semaphore_mem>>
      %dma_start3A = arith.constant 0 : i32
      %dma_start3A_36 = tpu.memref_slice %arg4[%select_n3A, %sub3A_19, %dma_start3A] : memref<8x4x20000xf32, #tpu.memory_space<hbm>> -> memref<1x1x20000xf32, #tpu.memory_space<hbm>>
      %dma_start3A_37 = tpu.memref_squeeze %dma_start3A_36 : memref<1x1x20000xf32, #tpu.memory_space<hbm>> -> memref<20000xf32, #tpu.memory_space<hbm>>
      %dma_start3A_38 = arith.constant 0 : i32
      %dma_start3A_39 = tpu.memref_slice %arg4[%select_n3A, %sub3A_19, %dma_start3A_38] : memref<8x4x20000xf32, #tpu.memory_space<hbm>> -> memref<1x1x20000xf32, #tpu.memory_space<hbm>>
      %dma_start3A_40 = tpu.memref_squeeze %dma_start3A_39 : memref<1x1x20000xf32, #tpu.memory_space<hbm>> -> memref<20000xf32, #tpu.memory_space<hbm>>
      tpu.enqueue_dma source(%arg7 : memref<20000xf32, #tpu.memory_space<vmem>>) target(%dma_start3A_40 : memref<20000xf32, #tpu.memory_space<hbm>>) target_semaphore(%run_scoped3A : memref<!tpu.dma_semaphore, #tpu.memory_space<semaphore_mem>>)
      %dma_wait3A = arith.constant 0 : i32
      %dma_wait3A_41 = tpu.memref_slice %arg4[%select_n3A, %sub3A_19, %dma_wait3A] : memref<8x4x20000xf32, #tpu.memory_space<hbm>> -> memref<1x1x20000xf32, #tpu.memory_space<hbm>>
      %dma_wait3A_42 = tpu.memref_squeeze %dma_wait3A_41 : memref<1x1x20000xf32, #tpu.memory_space<hbm>> -> memref<20000xf32, #tpu.memory_space<hbm>>
      %dma_wait3A_43 = arith.constant 0 : i32
      %dma_wait3A_44 = tpu.memref_slice %arg4[%select_n3A, %sub3A_19, %dma_wait3A_43] : memref<8x4x20000xf32, #tpu.memory_space<hbm>> -> memref<1x1x20000xf32, #tpu.memory_space<hbm>>
      %dma_wait3A_45 = tpu.memref_squeeze %dma_wait3A_44 : memref<1x1x20000xf32, #tpu.memory_space<hbm>> -> memref<20000xf32, #tpu.memory_space<hbm>>
      tpu.wait_dma2 semaphore(%run_scoped3A : memref<!tpu.dma_semaphore, #tpu.memory_space<semaphore_mem>>) src(%arg7 : memref<20000xf32, #tpu.memory_space<vmem>>) dst(%dma_wait3A_45 : memref<20000xf32, #tpu.memory_space<hbm>>)
      tpu.yield
    }) : () -> ()
    return
  }
}

module attributes {stable_mosaic.version = 14 : i64} {
  func.func @_scores_body(%arg0: i32, %arg1: memref<91x8x2048xf32, #tpu.memory_space<vmem>>, %arg2: memref<8x91xf32, #tpu.memory_space<vmem>>, %arg3: memref<8x2048xf32, #tpu.memory_space<vmem>>, %arg4: memref<8x2048xi32, #tpu.memory_space<vmem>>) attributes {dimension_semantics = [#tpu.dimension_semantics<arbitrary>], iteration_bounds = array<i64: 10>, scalar_prefetch = 0 : i64, scratch_operands = 0 : i64, tpu.core_type = #tpu.core_type<tc>, window_params = [{transform_indices = @transform_0, window_bounds = array<i64: 91, 8, 2048>}, {pipeline_mode = #tpu.pipeline_mode<synchronous>, transform_indices = @transform_1, window_bounds = array<i64: 8, 91>}, {transform_indices = @transform_2, window_bounds = array<i64: 8, 2048>}, {transform_indices = @transform_3, window_bounds = array<i64: 8, 2048>}]} {
    %get3A = arith.constant 0 : index
    %get3A_0 = arith.constant 0 : index
    %get3A_1 = arith.constant 0 : index
    %get3A_2 = vector.load %arg1[%get3A, %get3A_0, %get3A_1] : memref<91x8x2048xf32, #tpu.memory_space<vmem>>, vector<91x8x2048xf32>
    %get3A_3 = arith.constant 0 : index
    %get3A_4 = arith.constant 0 : index
    %get3A_5 = vector.load %arg2[%get3A_3, %get3A_4] : memref<8x91xf32, #tpu.memory_space<vmem>>, vector<8x91xf32>
    %transpose3A = tpu.transpose %get3A_5, [1, 0] : vector<8x91xf32> -> vector<91x8xf32>
    %neg3A = arith.constant 0.000000e+00 : f32
    %neg3A_6 = vector.broadcast %neg3A : f32 to vector<91x8xf32>
    %neg3A_7 = arith.subf %neg3A_6, %transpose3A : vector<91x8xf32>
    %exp3A = math.exp %neg3A_7 : vector<91x8xf32>
    %add3A = arith.constant 1.000000e+00 : f32
    %add3A_8 = vector.broadcast %add3A : f32 to vector<91x8xf32>
    %add3A_9 = arith.addf %add3A_8, %exp3A : vector<91x8xf32>
    %broadcast_in_dim3A = vector.shape_cast %add3A_9 : vector<91x8xf32> to vector<91x8x1xf32>
    %neg3A_10 = arith.constant 0.000000e+00 : f32
    %neg3A_11 = vector.broadcast %neg3A_10 : f32 to vector<91x8x2048xf32>
    %neg3A_12 = arith.subf %neg3A_11, %get3A_2 : vector<91x8x2048xf32>
    %exp3A_13 = math.exp %neg3A_12 : vector<91x8x2048xf32>
    %mul3A = vector.broadcast %broadcast_in_dim3A : vector<91x8x1xf32> to vector<91x8x2048xf32>
    %mul3A_14 = arith.mulf %mul3A, %exp3A_13 : vector<91x8x2048xf32>
    %add3A_15 = vector.broadcast %broadcast_in_dim3A : vector<91x8x1xf32> to vector<91x8x2048xf32>
    %add3A_16 = arith.addf %mul3A_14, %add3A_15 : vector<91x8x2048xf32>
    %reduce_min3A = arith.constant dense<0x7F800000> : vector<8x2048xf32>
    %reduce_min3A_17 = vector.multi_reduction <minimumf>, %add3A_16, %reduce_min3A [0] : vector<91x8x2048xf32> to vector<8x2048xf32>
    %div3A = arith.constant 1.000000e+00 : f32
    %div3A_18 = vector.broadcast %div3A : f32 to vector<8x2048xf32>
    %div3A_19 = arith.divf %div3A_18, %reduce_min3A_17 : vector<8x2048xf32>
    %swap3A = arith.constant 0 : index
    %swap3A_20 = arith.constant 0 : index
    %swap3A_21 = vector.load %arg3[%swap3A, %swap3A_20] : memref<8x2048xf32, #tpu.memory_space<vmem>>, vector<8x2048xf32>
    tpu.vector_store %arg3[%swap3A, %swap3A_20], %div3A_19 {strides = array<i32>} : memref<8x2048xf32, #tpu.memory_space<vmem>>, vector<8x2048xf32>,
    %broadcast_in_dim3A_22 = arith.constant 1 : i32
    %broadcast_in_dim3A_23 = vector.broadcast %broadcast_in_dim3A_22 : i32 to vector<8x2048xi32>
    %swap3A_24 = arith.constant 0 : index
    %swap3A_25 = arith.constant 0 : index
    %swap3A_26 = vector.load %arg4[%swap3A_24, %swap3A_25] : memref<8x2048xi32, #tpu.memory_space<vmem>>, vector<8x2048xi32>
    tpu.vector_store %arg4[%swap3A_24, %swap3A_25], %broadcast_in_dim3A_23 {strides = array<i32>} : memref<8x2048xi32, #tpu.memory_space<vmem>>, vector<8x2048xi32>,
    return
  }
  func.func @transform_0(%arg0: i32) -> (i32, i32, i32) {
    %c0_i32 = arith.constant 0 : i32
    %c0_i32_0 = arith.constant 0 : i32
    %c0_i32_1 = arith.constant 0 : i32
    return %c0_i32, %c0_i32_0, %arg0 : i32, i32, i32
  }
  func.func @transform_1(%arg0: i32) -> (i32, i32) {
    %c0_i32 = arith.constant 0 : i32
    %c0_i32_0 = arith.constant 0 : i32
    %c0_i32_1 = arith.constant 0 : i32
    return %c0_i32, %c0_i32_0 : i32, i32
  }
  func.func @transform_2(%arg0: i32) -> (i32, i32) {
    %c0_i32 = arith.constant 0 : i32
    %c0_i32_0 = arith.constant 0 : i32
    return %c0_i32, %arg0 : i32, i32
  }
  func.func @transform_3(%arg0: i32) -> (i32, i32) {
    %c0_i32 = arith.constant 0 : i32
    %c0_i32_0 = arith.constant 0 : i32
    return %c0_i32, %arg0 : i32, i32
  }
}

</mosaic_0001>

<sc_bundles>
// kernel: kernel.4.cloned.1.call-start
scs
__scs_entry_jumppad:
0x0: {  	(pc) =	sbr.rel $0x88, $3  }
0x1: {  	(tag) =	ssettag $0x0;
	lr =	simm.s32 $0x1  }
0x2: {  	[smem:$0x3F9D] =	sst lr;
	_ =	strace $0xD0000000  }
0x3: {  	_ = 	snop  }
0x4: {  	_ = 	snop  }
0x5: {  	_ = 	snop  }
0x6: {  	_ = 	snop  }
0x7: {  	_ = 	snop  }
__scs_overlays_trampoline_lowered:
0x8: {  	[smem:$0x3FAC] =	sst s0  }
0x9: {  	[smem:$0x3FAD] =	sst s1  }
0xa: {  	[smem:$0x3FAE] =	sst s2  }
0xb: {  	[smem:$0x3FAF] =	sst s3  }
0xc: {  	[smem:$0x3FB0] =	sst s4  }
0xd: {  	[smem:$0x3FB1] =	sst s5  }
0xe: {  	[smem:$0x3FB2] =	sst s6  }
0xf: {  	[smem:$0x3FB3] =	sst s7  }
0x10: {  	[smem:$0x3FB4] =	sst s8  }
0x11: {  	[smem:$0x3FB5] =	sst s9;
	s0 =	simm.s32 @!p0 $0x0  }
0x12: {  	s1 =	sld [smem:$0x3F9B];
	s0 =	simm.s32 @p0 $0x1  }
0x13: {  	[smem:$0x3FB6] =	sst s0;
	s0 =	simm.s32 @!p1 $0x0  }
0x14: {  	s2 =	sld [smem:$0x3F9A];
	s0 =	simm.s32 @p1 $0x1  }
0x15: {  	[smem:$0x3FB7] =	sst s0;
	s0 =	simm.s32 @!p2 $0x0  }
0x16: {  	s3 =	sld [smem:$0x3FDB];
	s0 =	simm.s32 @p2 $0x1  }
0x17: {  	s4 =	simm.s32 $0x1BF5;
	[smem:$0x3FB9] =	sst s0  }
0x18: {  	s0 =	sld [smem:$0x3F9C];
	_ =	swait.ge [sflag:s4], $0x0  }
0x19: {  	s7 =	sld [smem:$0x3F9D]  }
0x1a: {  	s8 =	sadd.s32 $0xFFFFE003, lr  }
0x1b: {  	s9 =	sadd.s32 $0xFFFFFEF7, lr;
	s5 =	simm.s32 $0xFFFFFFFF;
	p2 =	slt.u32 s8, $0xFFFFF086  }
0x1c: {  	p1 =	slt.u32 s9, $0xF7A;
	s5 =	simm.s32 @!p2 $0x0  }
0x1d: {  	s5 =	simm.s32 @p1 $0x1;
	p0 =	seq.s32 s7, s2  }
0x1e: {  	s7 =	smul.u32 @!p0 $0xF7A, s2;
	p2 =	seq.s32 @!p0 s5, $0x0  }
0x1f: {  	s9 =	smul.u32 $0xF7A, s1;
	s8 =	simm.s32 @!p0 $0x1BF5;
	p2 =	por !p2, p0  }
0x20: {  	[sflag:s8] =	ssyncset.s32 @!p0 $0xFFFFF086;
	s6 =	sadd.s32 @!p0 s3, s7;
	s7 =	simm.s32 @!p0 $0x108  }
0x21: {  	s3 =	sadd.s32 s3, s9;
	s6 =	sadd.s32 @!p0 $0x88, s6;
	s7 =	simm.s32 @p2 $0x1082  }
0x22: {  	[simem:s7], [sflag:s8] =	dma.local @!p0 [hbm:s6], $0xF7A  }
0x23: {  	s9 =	sor.u32 $0xD0000000, s2;
	s6 =	simm.s32 $0x108;
	_ =	swait.ge @!p0 [sflag:s8], $0x0  }
0x24: {  	s3 =	sadd.s32 $0x88, s3;
	s6 =	simm.s32 @!p1 $0x1082;
	[sflag:s4] =	ssyncset.s32 $0xFFFFF086  }
0x25: {  	[simem:s6], [sflag:s4] =	dma.local [hbm:s3], $0xF7A  }
0x26: {  	[smem:$0x3F9D] =	sst s1;
	(tag) =	ssettag s2;
	_ =	strace s9  }
0x27: {  	s1 =	sld [smem:$0x3FAD]  }
0x28: {  	s2 =	sld [smem:$0x3FAE]  }
0x29: {  	s4 =	sld [smem:$0x3FB0]  }
0x2a: {  	p0 =	seq.s32 s5, $0x0;
	s5 =	sld [smem:$0x3FB1]  }
0x2b: {  	s6 =	sld [smem:$0x3FB2]  }
0x2c: {  	s7 =	sld [smem:$0x3FB3]  }
0x2d: {  	s3 =	simm.s32 $0x108;
	s8 =	sld [smem:$0x3FB4]  }
0x2e: {  	s3 =	simm.s32 @!p0 $0x1082;
	s9 =	sld [smem:$0x3FB5]  }
0x2f: {  	lr =	sadd.s32 s0, s3;
	s0 =	sld [smem:$0x3FAC]  }
0x30: {  	s3 =	sld [smem:$0x3FAF]  }
0x31: {  	[smem:$0x3FB8] =	sst s10  }
0x32: {  	s10 =	sld [smem:$0x3FB6];
	_ =	sdelay $0x3  }
0x33: {  	p0 =	seq.s32 s10, $0x1;
	s10 =	sld [smem:$0x3FB8];
	_ =	sdelay $0x3  }
0x34: {  	[smem:$0x3FB8] =	sst s10  }
0x35: {  	s10 =	sld [smem:$0x3FB7];
	_ =	sdelay $0x3  }
0x36: {  	p1 =	seq.s32 s10, $0x1;
	s10 =	sld [smem:$0x3FB8];
	_ =	sdelay $0x3  }
0x37: {  	[smem:$0x3FB8] =	sst s10  }
0x38: {  	s10 =	sld [smem:$0x3FB9]  }
0x39: {  	_ = 	snop;
	(pc) =	sbr.ind lr, $3  }
0x3a: {  	_ = 	snop  }
0x3b: {  	_ = 	snop  }
0x3c: {  	p2 =	seq.s32 s10, $0x1;
	s10 =	sld [smem:$0x3FB8]  }
0x3d: {  	_ =	shalt  }
0x3e: {  	_ =	shalt  }
0x3f: {  	_ =	shalt  }
0x40: {  	_ =	shalt  }
0x41: {  	_ =	shalt  }
0x42: {  	_ =	shalt  }
0x43: {  	_ =	shalt  }
0x44: {  	_ =	shalt  }
0x45: {  	_ =	shalt  }
0x46: {  	_ =	shalt  }
0x47: {  	_ =	shalt  }
0x48: {  	_ =	shalt  }
0x49: {  	_ =	shalt  }
0x4a: {  	_ =	shalt  }
0x4b: {  	_ =	shalt  }
0x4c: {  	_ =	shalt  }
0x4d: {  	_ =	shalt  }
0x4e: {  	_ =	shalt  }
0x4f: {  	_ =	shalt  }
0x50: {  	_ =	shalt  }
0x51: {  	_ =	shalt  }
0x52: {  	_ =	shalt  }
0x53: {  	_ =	shalt  }
0x54: {  	_ =	shalt  }
0x55: {  	_ =	shalt  }
0x56: {  	_ =	shalt  }
0x57: {  	_ =	shalt  }
0x58: {  	_ =	shalt  }
0x59: {  	_ =	shalt  }
0x5a: {  	_ =	shalt  }
0x5b: {  	_ =	shalt  }
0x5c: {  	_ =	shalt  }
0x5d: {  	_ =	shalt  }
0x5e: {  	_ =	shalt  }
0x5f: {  	_ =	shalt  }
0x60: {  	_ =	shalt  }
0x61: {  	_ =	shalt  }
0x62: {  	_ =	shalt  }
0x63: {  	_ =	shalt  }
0x64: {  	_ =	shalt  }
0x65: {  	_ =	shalt  }
0x66: {  	_ =	shalt  }
0x67: {  	_ =	shalt  }
0x68: {  	_ =	shalt  }
0x69: {  	_ =	shalt  }
0x6a: {  	_ =	shalt  }
0x6b: {  	_ =	shalt  }
0x6c: {  	_ =	shalt  }
0x6d: {  	_ =	shalt  }
0x6e: {  	_ =	shalt  }
0x6f: {  	_ =	shalt  }
0x70: {  	_ =	shalt  }
0x71: {  	_ =	shalt  }
0x72: {  	_ =	shalt  }
0x73: {  	_ =	shalt  }
0x74: {  	_ =	shalt  }
0x75: {  	_ =	shalt  }
0x76: {  	_ =	shalt  }
0x77: {  	_ =	shalt  }
0x78: {  	_ =	shalt  }
0x79: {  	_ =	shalt  }
0x7a: {  	_ =	shalt  }
0x7b: {  	_ =	shalt  }
0x7c: {  	_ =	shalt  }
0x7d: {  	_ =	shalt  }
0x7e: {  	_ =	shalt  }
0x7f: {  	_ =	shalt  }
0x80: {  	_ =	shalt  }
0x81: {  	_ =	shalt  }
0x82: {  	_ =	shalt  }
0x83: {  	_ =	shalt  }
0x84: {  	_ =	shalt  }
0x85: {  	_ =	shalt  }
0x86: {  	_ =	shalt  }
0x87: {  	_ =	shalt  }
.Lfunc_end0:
.L_simem_size_0:
called_computation_lowered:
.L_overlay_start_0:
0x88: {  	s2 =	sld [smem:$0x3FD9]  }
0x89: {  	s3 =	sld [smem:$0x3FFE];
	_ =	sdelay $0x1  }
0x8a: {  	s1 =	srdreg.scid  }
0x8b: {  	s0 =	sand.u32 $0x1, s1  }
0x8c: {  	s14 =	sshll.u32 s0, $0xA;
	s2 =	sadd.s32 s3, s2  }
0x8d: {  	s2 =	sadd.s32 s2, s14  }
0x8e: {  	[smem:$0x3FC4] =	sst s2  }
0x8f: {  	_ = 	snop  }
0x90: {  	s2 =	sld [smem:$0x3FD0];
	_ =	sdelay $0x2  }
0x91: {  	s4 =	simm.s32 $0xA;
	s5 =	simm.s32 $0x10;
	s15 =	sld [smem:$0x3FC8]  }
0x92: {  	[smem:s5], [sflag:s4] =	dma.local [hbm:s2], $0x1  }
0x93: {  	_ =	swait.eq [sflag:s4], $0x1  }
0x94: {  	[sflag:s4] =	ssyncset.done $0x0  }
0x95: {  	[sflag:s4] =	ssyncadd.s32 $0xFFFFFFFF  }
0x96: {  	s16 =	sld [smem:$0x12];
	(tm) =	ssettm $0x1  }
0x97: {  	s17 =	sld [smem:$0x3FFB];
	_ =	sdelay $0x3  }
0x98: {  	_ =	strace s17  }
0x99: {  	s4 =	sld [smem:$0x3FFC];
	_ =	sdelay $0x3  }
0x9a: {  	_ =	strace s4  }
0x9b: {  	s4 =	sld [smem:$0x3FFD];
	_ =	sdelay $0x3  }
0x9c: {  	_ =	strace s4  }
0x9d: {  	_ =	strace $0x8FFFFFFF  }
0x9e: {  	s18 =	sld [smem:$0x3FDB];
	_ =	sdelay $0x1  }
0x9f: {  	s19 =	simm.s32 $_scs_section_size  }
0xa0: {  	s6 =	simm.s32 $_size__tile_overlayer_lowered;
	s7 =	simm.s32 $_tile_overlayer_lowered  }
0xa1: {  	s22 =	simm.s32 $0x1BFF;
	s21 =	sshll.u32 s7, $0x1;
	s4 =	sadd.s32 s19, s18  }
0xa2: {  	s8 =	simm.s32 $0x0;
	s20 =	sshll.u32 s6, $0x1;
	s6 =	sadd.s32 s21, s4  }
0xa3: {  	[timem:s8], [sflag:s22] =	dma.local [hbm:s6], s20  }
0xa4: {  	_ =	swait.ge [sflag:s22], s20  }
0xa5: {  	s5 =	ssub.s32 $0x0, s20;
	[sflag:s22] =	ssyncset.done $0x0  }
0xa6: {  	[sflag:s22] =	ssyncadd.s32 s5;
	_ =	sdelay $0x1  }
0xa7: {  	s23 =	simm.s32 $0x1B8B  }
0xa8: {  	_ =	swait.ge [sflag:s23], $0x1  }
0xa9: {  	[sflag:s23] =	ssyncset.done $0x0  }
0xaa: {  	s25 =	simm.s32 $0x1B8E;
	s24 =	sld [smem:$0x3FFE];
	[sflag:s23] =	ssyncadd.s32 $0xFFFFFFFF  }
0xab: {  	s26 =	simm.s32 $execute0_lowered;
	[smem:$0x3FD2] =	sst s25  }
0xac: {  	s6 =	sshll.u32 s26, $0x1;
	_ =	strace $0x80000046;
	[dreg:$0x1] =	wrdreg $0xFFFFFFFF  }
0xad: {  	s28 =	simm.s32 $_size_execute0_lowered;
	s4 =	sadd.s32 s4, s6;
	[dreg:$0x0] =	wrdreg $0x0  }
0xae: {  	s6 =	sshll.u32 s28, $0x1;
	[dreg:$0x2] =	wrdreg s4  }
0xaf: {  	[dreg:$0x3] =	wrdreg s6  }
0xb0: {  	[dreg:$0x4] =	wrdreg $0xC0  }
0xb1: {  	_ =	task [dreg:s8], $0x5FFFF  }
0xb2: {  	[dreg:$0x1] =	wrdreg $0xFFFFFFFF  }
0xb3: {  	[dreg:$0x0] =	wrdreg $0x60  }
0xb4: {  	[dreg:$0x2] =	wrdreg s15  }
0xb5: {  	[dreg:$0x3] =	wrdreg s24  }
0xb6: {  	[dreg:$0x4] =	wrdreg s16  }
0xb7: {  	[dreg:$0x5] =	wrdreg $0x9  }
0xb8: {  	_ =	task.clear_ibuf [dreg:s8], $0x6FFFF;
	_ =	strace $0x90000046  }
0xb9: {  	s29 =	simm.s32 $0x9;
	_ =	strace $0x80000048  }
0xba: {  	_ =	swait.ge [sflag:s29], $0x1  }
0xbb: {  	[sflag:s29] =	ssyncadd.s32 $0xFFFFFFFF  }
0xbc: {  	_ =	strace $0x90000048  }
0xbd: {  	_ =	sfence  }
0xbe: {  	s30 =	sld [smem:$0x0];
	_ =	sdelay $0x2  }
0xbf: {  	s31 =	sshll.u32 s1, $0xD;
	s1 =	sshrl.u32 s1, $0x2  }
0xc0: {  	s3 =	sand.u32 $0x4000, s31;
	s1 =	sadd.s32 s1, s30  }
0xc1: {  	s0 =	sor.u32 s3, s0;
	s1 =	sshll.u32 s1, $0x11  }
0xc2: {  	s0 =	sor.u32 s1, s0  }
0xc3: {  	s0 =	sadd.s32 $0x8F2B, s0  }
0xc4: {  	[sflag:s0] =	ssyncadd.remote.s32 $0x1  }
0xc5: {  	_ =	sfence.sel $0xFFFF  }
0xc6: {  	[dreg:$0x0] =	wrdreg $0xFFFFFFFF;
	(pc) =	sbr.abs _section_cstart, $3  }
0xc7: {  	[dreg:$0x1] =	wrdreg $0xFFFFFFFF  }
0xc8: {  	_ =	task.clear_ibuf [dreg:s8], $0x2FFFF;
	_ =	strace $0x9FFFFFFF  }
0xc9: {  	(tm) =	ssettm $0x7FFFFFFF  }
tec
execute0_lowered:
.L_overlay_start_1:
0x0: {  	(tag) =	ssettag $0x1  }
0x1: {  	s3 =	rddreg [dreg:$0x0]  }
0x2: {  	s1 =	srdreg.scid;
	s4 =	rddreg [dreg:$0x1]  }
0x3: {  	s0 =	stileid.u32;
	s7 =	rddreg [dreg:$0x2];
	s2 =	simm.s32 $0x0  }
0x4: {  	s13 =	simm.s32 $0x9D00;
	s5 =	sand.u32 $0x1, s1;
	s1 =	rddreg [dreg:$0x3]  }
0x5: {  	s14 =	simm.s32 $0x0;
	s6 =	sshrl.u32 s0, $0x1;
	[smem:$0x7FF] =	sst s2  }
0x6: {  	s10 =	sshll.u32 s0, $0x1;
	s8 =	sshll.u32 s5, $0x7;
	s9 =	sshll.u32 s6, $0x8  }
0x7: {  	s10 =	sor.u32 s5, s10;
	s11 =	sshll.u32 s6, $0x2;
	s12 =	smul.u32 $0x13A00, s6  }
0x8: {  	_ =	strace $0x80000047;
	s24 =	ssub.s32 $0x2, s5;
	s9 =	sor.u32 s8, s9  }
0x9: {  	s11 =	ssub.s32 s10, s11;
	s28 =	sshrl.u32 s24, $0x1;
	s30 =	sshll.u32 s10, $0x7  }
0xa: {  	s10 =	simm.s32 $0x1;
	s9 =	sshrl.u32 s9, $0x3;
	s25 =	sor.u32 s8, s12  }
0xb: {  	s26 =	sshrl.u32 s11, $0x2;
	s31 =	ssub.s32 s24, s28;
	p0 =	slt.s32 s11, $0x2  }
0xc: {  	s12 =	simm.f32 $-5.000000000e-01;
	s8 =	simm.s32 $0x80;
	s6 =	sadd.s32 s6, s26  }
0xd: {  	s11 =	simm.s32 $0x4E80;
	s9 =	sadd.s32 s9, s4;
	s29 =	smul.u32 $0x13A00, s6  }
0xe: {  	s5 =	sshrl.u32 s25, $0x3;
	s12 =	simm.s32 @!p0 $0x3F000000;
	s6 =	sand.u32 $0x180, s30  }
0xf: {  	s3 =	sadd.s32 s3, s5;
	s5 =	sadd.s32 $0xA00, s9;
	s6 =	sor.u32 s6, s29  }
0x10: {  	s9 =	simm.s32 $0x200;
	v0 =	vmov s12;
	s12 =	simm.s32 $0xEB80;
	s6 =	sshrl.u32 s6, $0x3  }
0x11: {  	s4 =	sadd.s32 $0x20, s3;
	s6 =	sadd.s32 s7, s6;
	s7 =	smax.u32 s31, $0x1  }
.LBB2_1:
0x12: {  	[tilespmem:s2], [sflag:$0x1] =	stream.strided.gather [hbm4b:s3+s8], $0x4E80, s9, s8, $0x38;
	[tilespmem:$0xEC00] =	vst v63  }
0x13: {  	_ =	swait.ge [sflag:s10], $0x4E80  }
0x14: {  	[sflag:s10] =	ssyncset.done $0x0  }
0x15: {  	[sflag:s10] =	ssyncadd.s32 $0xFFFFB180  }
0x16: {  	[tilespmem:s11], [sflag:$0x1] =	stream.strided.gather [hbm4b:s4+s8], $0x4E80, s9, s8, $0x38;
	[tilespmem:$0xEC00] =	vst v63  }
0x17: {  	_ =	swait.ge [sflag:s10], $0x4E80  }
0x18: {  	[sflag:s10] =	ssyncset.done $0x0  }
0x19: {  	[sflag:s10] =	ssyncadd.s32 $0xFFFFB180  }
0x1a: {  	[tilespmem:s12], [sflag:$0x1] =	stream.linear.gather [hbm4b:s5+s2], $0x80, $0x38;
	[tilespmem:$0xEC00] =	vst v63  }
0x1b: {  	_ =	swait.ge [sflag:s10], $0x80  }
0x1c: {  	[sflag:s10] =	ssyncset.done $0x0  }
0x1d: {  	s15 =	simm.s32 $0x0;
	[sflag:s10] =	ssyncadd.s32 $0xFFFFFF80  }
0x1e: {  	v2 =	vld [tilespmem:s15+$0x4E80];
	_ =	sdelay $0x1  }
0x1f: {  	v3 =	vld [tilespmem:s15+$0x0];
	_ =	sdelay $0x2  }
0x20: {  	v1 =	vld [tilespmem:$0xEB80];
	v2 =	vmul.f32 v2, v0  }
0x21: {  	s16 =	simm.s32 $0x10  }
0x22: {  	v4 =	vadd.f32 v2, v3;
	v2 =	vld [tilespmem:s16+$0x4E80];
	_ =	sdelay $0x1  }
0x23: {  	v3 =	vld [tilespmem:s16+$0x0]  }
0x24: {  	s17 =	simm.s32 $0x80;
	v4 =	vmul.f32 v4, v1  }
.LBB2_2:
0x25: {  	p0 =	sne.s32 s17, $0x13840  }
.Ltmp0:
0x26: {  	s18 =	sshra.s32 s17, $0x2;
	s17 =	sadd.s32 $0x40, s17;
	v5 =	vmul.f32 v2, v0;
	[tilespmem:s15+$0x9D00] =	vst v4;
	(pc) =	sbr.rel @p0 .LBB2_2-.Ltmp0, $4  }
0x27: {  	s15 =	smov.u32 s16;
	s16 =	smov.u32 s18;
	v2 =	vld [tilespmem:s18+$0x4E80]  }
0x28: {  	v4 =	vadd.f32 v5, v3  }
0x29: {  	v3 =	vld [tilespmem:s16+$0x0]  }
0x2a: {  	v4 =	vmul.f32 v4, v1  }
0x2b: {  	_ = 	snop  }
0x2c: {  	v2 =	vmul.f32 v2, v0;
	_ =	sdelay $0x1  }
0x2d: {  	v2 =	vadd.f32 v2, v3;
	_ =	sdelay $0x1  }
0x2e: {  	s14 =	sadd.s32 $0x1, s14;
	v1 =	vmul.f32 v2, v1  }
0x2f: {  	[tilespmem:s15+$0x9D00] =	vst v4;
	p0 =	sne.s32 s14, s7  }
.Ltmp1:
0x30: {  	[tilespmem:s16+$0x9D00] =	vst v1;
	(pc) =	sbr.rel @p0 .LBB2_1-.Ltmp1, $4  }
0x31: {  	[hbm4b:s6+s8] =	stream.strided.scatter [tilespmem:s13], [sflag:$0x1], $0x4E80, s9, s8, $0x38;
	[tilespmem:$0xEC00] =	vst v63  }
0x32: {  	_ =	swait.ge [sflag:s10], $0x4E80  }
0x33: {  	[sflag:s10] =	ssyncset.done $0x0  }
0x34: {  	[sflag:s10] =	ssyncadd.s32 $0xFFFFB180  }
0x35: {  	_ =	sfence.sel $0x180000  }
0x36: {  	[bflag:$0x0] =	sbarrier.arrive $0xFFFF  }
0x37: {  	p0 =	sne.s32 s0, $0x0;
	_ =	strace $0x90000047  }
0x38: {  	s0 =	sadd.s32 @!p0 $0x100000, s1;
	[bflag:$0x2] =	sbarrier.arrive $0xFFFF  }
0x39: {  	[sflag:s0] =	ssyncadd.tile.s32 @!p0 $0x1;
	_ =	shalt  }
.Lfunc_end2:
_tile_overlayer_lowered:
.L_overlay_start_2:
0x3a: {  	(tag) =	ssettag $0x2  }
0x3b: {  	s0 =	rddreg [dreg:$0x0];
	s2 =	stileid.u32  }
0x3c: {  	s1 =	rddreg [dreg:$0x1];
	p0 =	sne.s32 s2, $0x0  }
0x3d: {  	s3 =	rddreg [dreg:$0x2];
	[bflag:$0x3] =	sbarrier.arrive $0xFFFF;
	s2 =	simm.s32 @!p0 $0x1C01  }
0x3e: {  	[timem:s3], [sflag:s2] =	dma.local @!p0 [hbm:s0], s1  }
0x3f: {  	s0 =	simm.s32 @!p0 $0x1  }
0x40: {  	_ =	swait.ge @!p0 [sflag:s0], s1  }
0x41: {  	s1 =	ssub.s32 @!p0 $0x0, s1;
	[sflag:s0] =	ssyncset.done @!p0 $0x0  }
0x42: {  	[sflag:s0] =	ssyncadd.s32 @!p0 s1  }
0x43: {  	[bflag:$0x3] =	sbarrier.arrive $0xFFFF  }
0x44: {  	_ =	shalt  }

</sc_bundles>
